<compile_context>
chip_gen: v7x
topology: tpu7x:2x2x1
jax: 0.10.2.dev20260603
libtpu: 0.0.44.dev20260713+nightly
codegen_flags: <defaults>
</compile_context>

<pallas_src>
import functools

import jax
import jax.numpy as jnp
from jax import lax
from jax.experimental import pallas as pl
from jax.experimental.pallas import tpu as pltpu
from jax.experimental.pallas import tpu_sc as plsc

D_MODEL = 128
SEQ = 20
NUM_CORES = 2
NUM_SUBCORES = 16
NUM_WORKERS = NUM_CORES * NUM_SUBCORES
ECHUNK = 128
NBUF = 1


@jax.jit
def _sc_gather(time_t, pe):
    n_batch = time_t.shape[1]
    b_per_w = n_batch // NUM_WORKERS
    cpj = b_per_w // ECHUNK
    cpj_shift = cpj.bit_length() - 1
    assert cpj == 1 << cpj_shift
    n_chunks = SEQ * cpj
    n_super = n_chunks // NBUF
    mesh = plsc.VectorSubcoreMesh(core_axis_name="c", subcore_axis_name="s")

    @functools.partial(
        pl.kernel,
        mesh=mesh,
        out_type=jax.ShapeDtypeStruct((SEQ, n_batch, D_MODEL), jnp.float32),
        scratch_types=[
            pltpu.VMEM((SEQ, b_per_w), jnp.int32),
            pltpu.VMEM((3, NBUF, ECHUNK, D_MODEL), jnp.float32),
            pltpu.VMEM_SHARED((367, D_MODEL), jnp.float32),
            pltpu.SemaphoreType.DMA,
            pltpu.SemaphoreType.DMA,
            pltpu.SemaphoreType.DMA,
        ],
    )
    def k(time_hbm, pe_hbm, out_hbm, idx_v, rows_v, pe_sp, gsem, ssem, psem):
        sid = lax.axis_index("s")
        wid = sid * NUM_CORES + lax.axis_index("c")
        base_b = wid * b_per_w

        def pe_copy_main():
            return pltpu.make_async_copy(
                pe_hbm.at[pl.ds(sid * 24, 24)],
                pe_sp.at[pl.ds(sid * 24, 24)],
                psem,
            )

        def pe_copy_tail():
            return pltpu.make_async_copy(
                pe_hbm.at[pl.ds(360, 7)], pe_sp.at[pl.ds(360, 7)], psem
            )

        @pl.when(sid < 15)
        def _():
            pe_copy_main().start()

        @pl.when(sid == 15)
        def _():
            pe_copy_tail().start()

        pltpu.sync_copy(time_hbm.at[:, pl.ds(base_b, b_per_w)], idx_v)

        @pl.when(sid < 15)
        def _():
            pe_copy_main().wait()

        @pl.when(sid == 15)
        def _():
            pe_copy_tail().wait()

        plsc.subcore_barrier()

        def chunk_coords(c):
            j = lax.shift_right_logical(c, cpj_shift)
            blk = lax.bitwise_and(c, cpj - 1)
            return j, blk * ECHUNK

        def fire_gathers(s, half):
            for b in range(NBUF):
                j, off = chunk_coords(s * NBUF + b)
                pltpu.async_copy(
                    pe_sp.at[idx_v.at[j, pl.ds(off, ECHUNK)]],
                    rows_v.at[half, b],
                    gsem,
                )

        def drain_gathers(s, half):
            for b in range(NBUF):
                j, off = chunk_coords(s * NBUF + b)
                pltpu.make_async_copy(
                    pe_sp.at[idx_v.at[j, pl.ds(off, ECHUNK)]],
                    rows_v.at[half, b],
                    gsem,
                ).wait()

        def fire_stores(s, half):
            for b in range(NBUF):
                j, off = chunk_coords(s * NBUF + b)
                pltpu.async_copy(
                    rows_v.at[half, b],
                    out_hbm.at[j, pl.ds(base_b + off, ECHUNK)],
                    ssem,
                )

        def drain_stores(s, half):
            for b in range(NBUF):
                j, off = chunk_coords(s * NBUF + b)
                pltpu.make_async_copy(
                    rows_v.at[half, b],
                    out_hbm.at[j, pl.ds(base_b + off, ECHUNK)],
                    ssem,
                ).wait()

        fire_gathers(0, 0)
        fire_gathers(1, 1)

        def body(s, carry):
            r = lax.rem(s, 3)
            drain_gathers(s, r)
            fire_stores(s, r)

            @pl.when(s >= 1)
            def _():
                drain_stores(s - 1, lax.rem(s - 1, 3))

            @pl.when(s + 2 < n_super)
            def _():
                fire_gathers(s + 2, lax.rem(s + 2, 3))

            return carry

        lax.fori_loop(0, n_super, body, 0)
        drain_stores(n_super - 1, lax.rem(n_super - 1, 3))

    return k(time_t, pe)


def kernel(time, pe):
    time_t = time.astype(jnp.int32).T
    out_t = _sc_gather(time_t, pe)
    return out_t.transpose(1, 0, 2)

# --- scband reference (transcript-rebuilt; emitter-appended) ---
"""Pipeline reference for scband-positional-encoding-53068615910339 (READ-ONLY COPY).

The authoritative reference and input builder live on the scoring server;
editing this copy changes nothing except your own understanding.
"""

import jax, jax.numpy as jnp
import numpy as np
import math

D_MODEL = 128
MAX_LEN = 366

def _make_pe(d_model=D_MODEL, max_len=MAX_LEN):
    pe = np.zeros((max_len + 1, d_model), dtype=np.float32)
    position = np.arange(0, max_len, dtype=np.float32)[:, None]
    div_term = np.exp(np.arange(0, d_model, 2, dtype=np.float32) * -(math.log(10000.0) / d_model))
    pe[1:, 0::2] = np.sin(position * div_term)
    pe[1:, 1::2] = np.cos(position * div_term)
    return jnp.asarray(pe)

def setup_inputs(seed: int = 0) -> dict:
    key = jax.random.key(seed)
    time = jax.random.randint(key, (16384, 20), 0, 367, dtype=jnp.int64)
    pe = _make_pe()
    return {"time": time, "pe": pe}

def reference(time, pe):
    # time = time.long(); return self.pe[time]
    return jnp.take(pe, time, axis=0)

if __name__ == "__main__":
    import jax
    _d = setup_inputs()
    print(jax.jit(kernel)(*tuple(_d.values())))

</pallas_src>

<mosaic_0001>
#map = affine_map<(d0, d1) -> (0, 0)>
#map1 = affine_map<(d0, d1) -> (0, 0, 0)>
module attributes {stable_mosaic.version = 14 : i64} {
  func.func @k(%arg0: i32, %arg1: i32, %arg2: memref<20x16384xi32, #tpu.memory_space<hbm>>, %arg3: memref<367x128xf32, #tpu.memory_space<hbm>>, %arg4: memref<20x16384x128xf32, #tpu.memory_space<hbm>>, %arg5: memref<20x512xi32, #tpu.memory_space<vmem>>, %arg6: memref<3x1x128x128xf32, #tpu.memory_space<vmem>>, %arg7: memref<367x128xf32, #tpu.memory_space<vmem_shared>>, %arg8: memref<!tpu.dma_semaphore, #tpu.memory_space<semaphore_mem>>, %arg9: memref<!tpu.dma_semaphore, #tpu.memory_space<semaphore_mem>>, %arg10: memref<!tpu.dma_semaphore, #tpu.memory_space<semaphore_mem>>) attributes {dimension_semantics = [#tpu.dimension_semantics<core_parallel>, #tpu.dimension_semantics<subcore_parallel>], iteration_bounds = array<i64: 2, 16>, scalar_prefetch = 0 : i64, scratch_operands = 6 : i64, tpu.core_type = #tpu.core_type<sc_vector_subcore>, window_params = [{transform_indices = #map}, {transform_indices = #map}, {transform_indices = #map1}]} {
    %mul3A = arith.constant 2 : i32
    %mul3A_0 = arith.muli %arg1, %mul3A : i32
    %add3A = arith.addi %mul3A_0, %arg0 : i32
    %mul3A_1 = arith.constant 512 : i32
    %mul3A_2 = arith.muli %add3A, %mul3A_1 : i32
    %lt3A = arith.constant 15 : i32
    %lt3A_3 = arith.cmpi slt, %arg1, %lt3A : i32
    %convert_element_type3A = arith.extui %lt3A_3 : i1 to i32
    %cond3A = arith.constant 0 : i32
    %cond3A_4 = arith.cmpi ne, %convert_element_type3A, %cond3A : i32
    scf.if %cond3A_4 {
      %mul3A_84 = arith.constant 24 : i32
      %mul3A_85 = arith.muli %arg1, %mul3A_84 : i32
      %mul3A_86 = arith.constant 24 : i32
      %mul3A_87 = arith.muli %arg1, %mul3A_86 : i32
      %dma_start3A_88 = arith.constant 0 : i32
      %dma_start3A_89 = tpu.memref_slice %arg7[%mul3A_87, %dma_start3A_88] : memref<367x128xf32, #tpu.memory_space<vmem_shared>> -> memref<24x128xf32, #tpu.memory_space<vmem_shared>>
      %dma_start3A_90 = arith.constant 0 : i32
      %dma_start3A_91 = tpu.memref_slice %arg3[%mul3A_85, %dma_start3A_90] : memref<367x128xf32, #tpu.memory_space<hbm>> -> memref<24x128xf32, #tpu.memory_space<hbm>>
      tpu.enqueue_dma source(%dma_start3A_91 : memref<24x128xf32, #tpu.memory_space<hbm>>) target(%dma_start3A_89 : memref<24x128xf32, #tpu.memory_space<vmem_shared>>) target_semaphore(%arg10 : memref<!tpu.dma_semaphore, #tpu.memory_space<semaphore_mem>>)
    } else {
    }
    %eq3A = arith.constant 15 : i32
    %eq3A_5 = arith.cmpi eq, %arg1, %eq3A : i32
    %convert_element_type3A_6 = arith.extui %eq3A_5 : i1 to i32
    %cond3A_7 = arith.constant 0 : i32
    %cond3A_8 = arith.cmpi ne, %convert_element_type3A_6, %cond3A_7 : i32
    scf.if %cond3A_8 {
      %dma_start3A_84 = arith.constant 360 : i32
      %dma_start3A_85 = arith.constant 0 : i32
      %dma_start3A_86 = tpu.memref_slice %arg7[%dma_start3A_84, %dma_start3A_85] : memref<367x128xf32, #tpu.memory_space<vmem_shared>> -> memref<7x128xf32, #tpu.memory_space<vmem_shared>>
      %dma_start3A_87 = arith.constant 360 : i32
      %dma_start3A_88 = arith.constant 0 : i32
      %dma_start3A_89 = tpu.memref_slice %arg3[%dma_start3A_87, %dma_start3A_88] : memref<367x128xf32, #tpu.memory_space<hbm>> -> memref<7x128xf32, #tpu.memory_space<hbm>>
      tpu.enqueue_dma source(%dma_start3A_89 : memref<7x128xf32, #tpu.memory_space<hbm>>) target(%dma_start3A_86 : memref<7x128xf32, #tpu.memory_space<vmem_shared>>) target_semaphore(%arg10 : memref<!tpu.dma_semaphore, #tpu.memory_space<semaphore_mem>>)
    } else {
    }
    "tpu.region"() ({
      %run_scoped3A = tpu.sem_alloc : memref<!tpu.dma_semaphore, #tpu.memory_space<semaphore_mem>>
      %dma_start3A_84 = arith.constant 0 : i32
      %dma_start3A_85 = tpu.memref_slice %arg2[%dma_start3A_84, %mul3A_2] : memref<20x16384xi32, #tpu.memory_space<hbm>> -> memref<20x512xi32, #tpu.memory_space<hbm>>
      %dma_start3A_86 = arith.constant 0 : i32
      %dma_start3A_87 = tpu.memref_slice %arg2[%dma_start3A_86, %mul3A_2] : memref<20x16384xi32, #tpu.memory_space<hbm>> -> memref<20x512xi32, #tpu.memory_space<hbm>>
      tpu.enqueue_dma source(%dma_start3A_87 : memref<20x512xi32, #tpu.memory_space<hbm>>) target(%arg5 : memref<20x512xi32, #tpu.memory_space<vmem>>) target_semaphore(%run_scoped3A : memref<!tpu.dma_semaphore, #tpu.memory_space<semaphore_mem>>)
      %dma_wait3A_88 = arith.constant 0 : i32
      %dma_wait3A_89 = tpu.memref_slice %arg2[%dma_wait3A_88, %mul3A_2] : memref<20x16384xi32, #tpu.memory_space<hbm>> -> memref<20x512xi32, #tpu.memory_space<hbm>>
      %dma_wait3A_90 = arith.constant 0 : i32
      %dma_wait3A_91 = tpu.memref_slice %arg2[%dma_wait3A_90, %mul3A_2] : memref<20x16384xi32, #tpu.memory_space<hbm>> -> memref<20x512xi32, #tpu.memory_space<hbm>>
      tpu.wait_dma2 semaphore(%run_scoped3A : memref<!tpu.dma_semaphore, #tpu.memory_space<semaphore_mem>>) src(%dma_wait3A_91 : memref<20x512xi32, #tpu.memory_space<hbm>>) dst(%arg5 : memref<20x512xi32, #tpu.memory_space<vmem>>)
      tpu.yield
    }) : () -> ()
    %lt3A_9 = arith.constant 15 : i32
    %lt3A_10 = arith.cmpi slt, %arg1, %lt3A_9 : i32
    %convert_element_type3A_11 = arith.extui %lt3A_10 : i1 to i32
    %cond3A_12 = arith.constant 0 : i32
    %cond3A_13 = arith.cmpi ne, %convert_element_type3A_11, %cond3A_12 : i32
    scf.if %cond3A_13 {
      %mul3A_84 = arith.constant 24 : i32
      %mul3A_85 = arith.muli %arg1, %mul3A_84 : i32
      %mul3A_86 = arith.constant 24 : i32
      %mul3A_87 = arith.muli %arg1, %mul3A_86 : i32
      %dma_wait3A_88 = arith.constant 0 : i32
      %dma_wait3A_89 = tpu.memref_slice %arg7[%mul3A_87, %dma_wait3A_88] : memref<367x128xf32, #tpu.memory_space<vmem_shared>> -> memref<24x128xf32, #tpu.memory_space<vmem_shared>>
      %dma_wait3A_90 = arith.constant 0 : i32
      %dma_wait3A_91 = tpu.memref_slice %arg3[%mul3A_85, %dma_wait3A_90] : memref<367x128xf32, #tpu.memory_space<hbm>> -> memref<24x128xf32, #tpu.memory_space<hbm>>
      tpu.wait_dma2 semaphore(%arg10 : memref<!tpu.dma_semaphore, #tpu.memory_space<semaphore_mem>>) src(%dma_wait3A_91 : memref<24x128xf32, #tpu.memory_space<hbm>>) dst(%dma_wait3A_89 : memref<24x128xf32, #tpu.memory_space<vmem_shared>>)
    } else {
    }
    %eq3A_14 = arith.constant 15 : i32
    %eq3A_15 = arith.cmpi eq, %arg1, %eq3A_14 : i32
    %convert_element_type3A_16 = arith.extui %eq3A_15 : i1 to i32
    %cond3A_17 = arith.constant 0 : i32
    %cond3A_18 = arith.cmpi ne, %convert_element_type3A_16, %cond3A_17 : i32
    scf.if %cond3A_18 {
      %dma_wait3A_84 = arith.constant 360 : i32
      %dma_wait3A_85 = arith.constant 0 : i32
      %dma_wait3A_86 = tpu.memref_slice %arg7[%dma_wait3A_84, %dma_wait3A_85] : memref<367x128xf32, #tpu.memory_space<vmem_shared>> -> memref<7x128xf32, #tpu.memory_space<vmem_shared>>
      %dma_wait3A_87 = arith.constant 360 : i32
      %dma_wait3A_88 = arith.constant 0 : i32
      %dma_wait3A_89 = tpu.memref_slice %arg3[%dma_wait3A_87, %dma_wait3A_88] : memref<367x128xf32, #tpu.memory_space<hbm>> -> memref<7x128xf32, #tpu.memory_space<hbm>>
      tpu.wait_dma2 semaphore(%arg10 : memref<!tpu.dma_semaphore, #tpu.memory_space<semaphore_mem>>) src(%dma_wait3A_89 : memref<7x128xf32, #tpu.memory_space<hbm>>) dst(%dma_wait3A_86 : memref<7x128xf32, #tpu.memory_space<vmem_shared>>)
    } else {
    }
    %barrier3A = arith.constant 0 : index
    tpu.barrier barrier_id(%barrier3A)
    %shift_right_logical3A = arith.constant 0 : i32
    %shift_right_logical3A_19 = arith.constant 2 : i32
    %shift_right_logical3A_20 = arith.shrui %shift_right_logical3A, %shift_right_logical3A_19 : i32
    %and3A = arith.constant 0 : i32
    %and3A_21 = arith.constant 3 : i32
    %and3A_22 = arith.andi %and3A, %and3A_21 : i32
    %mul3A_23 = arith.constant 128 : i32
    %mul3A_24 = arith.muli %and3A_22, %mul3A_23 : i32
    %dma_start3A = arith.constant 0 : i32
    %dma_start3A_25 = arith.constant 0 : i32
    %dma_start3A_26 = arith.constant 0 : i32
    %dma_start3A_27 = arith.constant 0 : i32
    %dma_start3A_28 = tpu.memref_slice %arg6[%dma_start3A, %dma_start3A_25, %dma_start3A_26, %dma_start3A_27] : memref<3x1x128x128xf32, #tpu.memory_space<vmem>> -> memref<1x1x128x128xf32, #tpu.memory_space<vmem>>
    %dma_start3A_29 = tpu.memref_squeeze %dma_start3A_28 : memref<1x1x128x128xf32, #tpu.memory_space<vmem>> -> memref<128x128xf32, #tpu.memory_space<vmem>>
    %dma_start3A_30 = tpu.memref_slice %arg5[%shift_right_logical3A_20, %mul3A_24] : memref<20x512xi32, #tpu.memory_space<vmem>> -> memref<1x128xi32, #tpu.memory_space<vmem>>
    %dma_start3A_31 = tpu.memref_squeeze %dma_start3A_30 : memref<1x128xi32, #tpu.memory_space<vmem>> -> memref<128xi32, #tpu.memory_space<vmem>>
    %dma_start3A_32 = arith.constant 0 : i32
    %dma_start3A_33 = arith.constant 0 : i32
    %dma_start3A_34 = tpu.memref_slice %arg7[%dma_start3A_32, %dma_start3A_33] : memref<367x128xf32, #tpu.memory_space<vmem_shared>> -> memref<367x128xf32, #tpu.memory_space<vmem_shared>>
    tpu.enqueue_indirect_dma source(%dma_start3A_34 : memref<367x128xf32, #tpu.memory_space<vmem_shared>>) target(%dma_start3A_29 : memref<128x128xf32, #tpu.memory_space<vmem>>) offsets(%dma_start3A_31 : memref<128xi32, #tpu.memory_space<vmem>>) semaphore(%arg8 : memref<!tpu.dma_semaphore, #tpu.memory_space<semaphore_mem>>)
    %shift_right_logical3A_35 = arith.constant 1 : i32
    %shift_right_logical3A_36 = arith.constant 2 : i32
    %shift_right_logical3A_37 = arith.shrui %shift_right_logical3A_35, %shift_right_logical3A_36 : i32
    %and3A_38 = arith.constant 1 : i32
    %and3A_39 = arith.constant 3 : i32
    %and3A_40 = arith.andi %and3A_38, %and3A_39 : i32
    %mul3A_41 = arith.constant 128 : i32
    %mul3A_42 = arith.muli %and3A_40, %mul3A_41 : i32
    %dma_start3A_43 = arith.constant 1 : i32
    %dma_start3A_44 = arith.constant 0 : i32
    %dma_start3A_45 = arith.constant 0 : i32
    %dma_start3A_46 = arith.constant 0 : i32
    %dma_start3A_47 = tpu.memref_slice %arg6[%dma_start3A_43, %dma_start3A_44, %dma_start3A_45, %dma_start3A_46] : memref<3x1x128x128xf32, #tpu.memory_space<vmem>> -> memref<1x1x128x128xf32, #tpu.memory_space<vmem>>
    %dma_start3A_48 = tpu.memref_squeeze %dma_start3A_47 : memref<1x1x128x128xf32, #tpu.memory_space<vmem>> -> memref<128x128xf32, #tpu.memory_space<vmem>>
    %dma_start3A_49 = tpu.memref_slice %arg5[%shift_right_logical3A_37, %mul3A_42] : memref<20x512xi32, #tpu.memory_space<vmem>> -> memref<1x128xi32, #tpu.memory_space<vmem>>
    %dma_start3A_50 = tpu.memref_squeeze %dma_start3A_49 : memref<1x128xi32, #tpu.memory_space<vmem>> -> memref<128xi32, #tpu.memory_space<vmem>>
    %dma_start3A_51 = arith.constant 0 : i32
    %dma_start3A_52 = arith.constant 0 : i32
    %dma_start3A_53 = tpu.memref_slice %arg7[%dma_start3A_51, %dma_start3A_52] : memref<367x128xf32, #tpu.memory_space<vmem_shared>> -> memref<367x128xf32, #tpu.memory_space<vmem_shared>>
    tpu.enqueue_indirect_dma source(%dma_start3A_53 : memref<367x128xf32, #tpu.memory_space<vmem_shared>>) target(%dma_start3A_48 : memref<128x128xf32, #tpu.memory_space<vmem>>) offsets(%dma_start3A_50 : memref<128xi32, #tpu.memory_space<vmem>>) semaphore(%arg8 : memref<!tpu.dma_semaphore, #tpu.memory_space<semaphore_mem>>)
    %scan3A = arith.constant 0 : i32
    %scan3A_54 = arith.constant 0 : i32
    %scan3A_55 = arith.constant 80 : i32
    %scan3A_56 = arith.addi %scan3A_54, %scan3A_55 : i32
    %scan3A_57 = arith.constant 1 : i32
    scf.for %scan3A_84 = %scan3A_54 to %scan3A_56 step %scan3A_57  : i32 {
      %rem3A_85 = arith.constant 3 : i32
      %rem3A_86 = arith.remsi %scan3A_84, %rem3A_85 : i32
      %mul3A_87 = arith.constant 1 : i32
      %mul3A_88 = arith.muli %scan3A_84, %mul3A_87 : i32
      %add3A_89 = arith.constant 0 : i32
      %add3A_90 = arith.addi %mul3A_88, %add3A_89 : i32
      %shift_right_logical3A_91 = arith.constant 2 : i32
      %shift_right_logical3A_92 = arith.shrui %add3A_90, %shift_right_logical3A_91 : i32
      %and3A_93 = arith.constant 3 : i32
      %and3A_94 = arith.andi %add3A_90, %and3A_93 : i32
      %mul3A_95 = arith.constant 128 : i32
      %mul3A_96 = arith.muli %and3A_94, %mul3A_95 : i32
      %dma_wait3A_97 = arith.constant 0 : i32
      %dma_wait3A_98 = arith.constant 0 : i32
      %dma_wait3A_99 = arith.constant 0 : i32
      %dma_wait3A_100 = tpu.memref_slice %arg6[%rem3A_86, %dma_wait3A_97, %dma_wait3A_98, %dma_wait3A_99] : memref<3x1x128x128xf32, #tpu.memory_space<vmem>> -> memref<1x1x128x128xf32, #tpu.memory_space<vmem>>
      %dma_wait3A_101 = tpu.memref_squeeze %dma_wait3A_100 : memref<1x1x128x128xf32, #tpu.memory_space<vmem>> -> memref<128x128xf32, #tpu.memory_space<vmem>>
      %dma_wait3A_102 = tpu.memref_slice %arg5[%shift_right_logical3A_92, %mul3A_96] : memref<20x512xi32, #tpu.memory_space<vmem>> -> memref<1x128xi32, #tpu.memory_space<vmem>>
      %dma_wait3A_103 = tpu.memref_squeeze %dma_wait3A_102 : memref<1x128xi32, #tpu.memory_space<vmem>> -> memref<128xi32, #tpu.memory_space<vmem>>
      %dma_wait3A_104 = arith.constant 0 : i32
      %dma_wait3A_105 = arith.constant 0 : i32
      %dma_wait3A_106 = tpu.memref_slice %arg7[%dma_wait3A_104, %dma_wait3A_105] : memref<367x128xf32, #tpu.memory_space<vmem_shared>> -> memref<367x128xf32, #tpu.memory_space<vmem_shared>>
      tpu.wait_indirect_dma semaphore(%arg8 : memref<!tpu.dma_semaphore, #tpu.memory_space<semaphore_mem>>) src(%dma_wait3A_106 : memref<367x128xf32, #tpu.memory_space<vmem_shared>>) dst(%dma_wait3A_101 : memref<128x128xf32, #tpu.memory_space<vmem>>)
      %mul3A_107 = arith.constant 1 : i32
      %mul3A_108 = arith.muli %scan3A_84, %mul3A_107 : i32
      %add3A_109 = arith.constant 0 : i32
      %add3A_110 = arith.addi %mul3A_108, %add3A_109 : i32
      %shift_right_logical3A_111 = arith.constant 2 : i32
      %shift_right_logical3A_112 = arith.shrui %add3A_110, %shift_right_logical3A_111 : i32
      %and3A_113 = arith.constant 3 : i32
      %and3A_114 = arith.andi %add3A_110, %and3A_113 : i32
      %mul3A_115 = arith.constant 128 : i32
      %mul3A_116 = arith.muli %and3A_114, %mul3A_115 : i32
      %add3A_117 = arith.addi %mul3A_2, %mul3A_116 : i32
      %dma_start3A_118 = arith.constant 0 : i32
      %dma_start3A_119 = arith.constant 0 : i32
      %dma_start3A_120 = arith.constant 0 : i32
      %dma_start3A_121 = tpu.memref_slice %arg6[%rem3A_86, %dma_start3A_118, %dma_start3A_119, %dma_start3A_120] : memref<3x1x128x128xf32, #tpu.memory_space<vmem>> -> memref<1x1x128x128xf32, #tpu.memory_space<vmem>>
      %dma_start3A_122 = tpu.memref_squeeze %dma_start3A_121 : memref<1x1x128x128xf32, #tpu.memory_space<vmem>> -> memref<128x128xf32, #tpu.memory_space<vmem>>
      %dma_start3A_123 = arith.constant 0 : i32
      %dma_start3A_124 = tpu.memref_slice %arg4[%shift_right_logical3A_112, %add3A_117, %dma_start3A_123] : memref<20x16384x128xf32, #tpu.memory_space<hbm>> -> memref<1x128x128xf32, #tpu.memory_space<hbm>>
      %dma_start3A_125 = tpu.memref_squeeze %dma_start3A_124 : memref<1x128x128xf32, #tpu.memory_space<hbm>> -> memref<128x128xf32, #tpu.memory_space<hbm>>
      %dma_start3A_126 = arith.constant 0 : i32
      %dma_start3A_127 = tpu.memref_slice %arg4[%shift_right_logical3A_112, %add3A_117, %dma_start3A_126] : memref<20x16384x128xf32, #tpu.memory_space<hbm>> -> memref<1x128x128xf32, #tpu.memory_space<hbm>>
      %dma_start3A_128 = tpu.memref_squeeze %dma_start3A_127 : memref<1x128x128xf32, #tpu.memory_space<hbm>> -> memref<128x128xf32, #tpu.memory_space<hbm>>
      %dma_start3A_129 = arith.constant 0 : i32
      %dma_start3A_130 = arith.constant 0 : i32
      %dma_start3A_131 = tpu.memref_slice %arg6[%rem3A_86, %dma_start3A_118, %dma_start3A_129, %dma_start3A_130] : memref<3x1x128x128xf32, #tpu.memory_space<vmem>> -> memref<1x1x128x128xf32, #tpu.memory_space<vmem>>
      %dma_start3A_132 = tpu.memref_squeeze %dma_start3A_131 : memref<1x1x128x128xf32, #tpu.memory_space<vmem>> -> memref<128x128xf32, #tpu.memory_space<vmem>>
      tpu.enqueue_dma source(%dma_start3A_132 : memref<128x128xf32, #tpu.memory_space<vmem>>) target(%dma_start3A_128 : memref<128x128xf32, #tpu.memory_space<hbm>>) target_semaphore(%arg9 : memref<!tpu.dma_semaphore, #tpu.memory_space<semaphore_mem>>)
      %ge3A = arith.constant 1 : i32
      %ge3A_133 = arith.cmpi sge, %scan3A_84, %ge3A : i32
      %convert_element_type3A_134 = arith.extui %ge3A_133 : i1 to i32
      %cond3A_135 = arith.constant 0 : i32
      %cond3A_136 = arith.cmpi ne, %convert_element_type3A_134, %cond3A_135 : i32
      scf.if %cond3A_136 {
        %sub3A = arith.constant 1 : i32
        %sub3A_144 = arith.subi %scan3A_84, %sub3A : i32
        %sub3A_145 = arith.constant 1 : i32
        %sub3A_146 = arith.subi %scan3A_84, %sub3A_145 : i32
        %rem3A_147 = arith.constant 3 : i32
        %rem3A_148 = arith.remsi %sub3A_146, %rem3A_147 : i32
        %mul3A_149 = arith.constant 1 : i32
        %mul3A_150 = arith.muli %sub3A_144, %mul3A_149 : i32
        %add3A_151 = arith.constant 0 : i32
        %add3A_152 = arith.addi %mul3A_150, %add3A_151 : i32
        %shift_right_logical3A_153 = arith.constant 2 : i32
        %shift_right_logical3A_154 = arith.shrui %add3A_152, %shift_right_logical3A_153 : i32
        %and3A_155 = arith.constant 3 : i32
        %and3A_156 = arith.andi %add3A_152, %and3A_155 : i32
        %mul3A_157 = arith.constant 128 : i32
        %mul3A_158 = arith.muli %and3A_156, %mul3A_157 : i32
        %add3A_159 = arith.addi %mul3A_2, %mul3A_158 : i32
        %dma_wait3A_160 = arith.constant 0 : i32
        %dma_wait3A_161 = arith.constant 0 : i32
        %dma_wait3A_162 = arith.constant 0 : i32
        %dma_wait3A_163 = tpu.memref_slice %arg6[%rem3A_148, %dma_wait3A_160, %dma_wait3A_161, %dma_wait3A_162] : memref<3x1x128x128xf32, #tpu.memory_space<vmem>> -> memref<1x1x128x128xf32, #tpu.memory_space<vmem>>
        %dma_wait3A_164 = tpu.memref_squeeze %dma_wait3A_163 : memref<1x1x128x128xf32, #tpu.memory_space<vmem>> -> memref<128x128xf32, #tpu.memory_space<vmem>>
        %dma_wait3A_165 = arith.constant 0 : i32
        %dma_wait3A_166 = tpu.memref_slice %arg4[%shift_right_logical3A_154, %add3A_159, %dma_wait3A_165] : memref<20x16384x128xf32, #tpu.memory_space<hbm>> -> memref<1x128x128xf32, #tpu.memory_space<hbm>>
        %dma_wait3A_167 = tpu.memref_squeeze %dma_wait3A_166 : memref<1x128x128xf32, #tpu.memory_space<hbm>> -> memref<128x128xf32, #tpu.memory_space<hbm>>
        %dma_wait3A_168 = arith.constant 0 : i32
        %dma_wait3A_169 = tpu.memref_slice %arg4[%shift_right_logical3A_154, %add3A_159, %dma_wait3A_168] : memref<20x16384x128xf32, #tpu.memory_space<hbm>> -> memref<1x128x128xf32, #tpu.memory_space<hbm>>
        %dma_wait3A_170 = tpu.memref_squeeze %dma_wait3A_169 : memref<1x128x128xf32, #tpu.memory_space<hbm>> -> memref<128x128xf32, #tpu.memory_space<hbm>>
        %dma_wait3A_171 = arith.constant 0 : i32
        %dma_wait3A_172 = arith.constant 0 : i32
        %dma_wait3A_173 = tpu.memref_slice %arg6[%rem3A_148, %dma_wait3A_160, %dma_wait3A_171, %dma_wait3A_172] : memref<3x1x128x128xf32, #tpu.memory_space<vmem>> -> memref<1x1x128x128xf32, #tpu.memory_space<vmem>>
        %dma_wait3A_174 = tpu.memref_squeeze %dma_wait3A_173 : memref<1x1x128x128xf32, #tpu.memory_space<vmem>> -> memref<128x128xf32, #tpu.memory_space<vmem>>
        tpu.wait_dma2 semaphore(%arg9 : memref<!tpu.dma_semaphore, #tpu.memory_space<semaphore_mem>>) src(%dma_wait3A_174 : memref<128x128xf32, #tpu.memory_space<vmem>>) dst(%dma_wait3A_170 : memref<128x128xf32, #tpu.memory_space<hbm>>)
      } else {
      }
      %add3A_137 = arith.constant 2 : i32
      %add3A_138 = arith.addi %scan3A_84, %add3A_137 : i32
      %lt3A_139 = arith.constant 80 : i32
      %lt3A_140 = arith.cmpi slt, %add3A_138, %lt3A_139 : i32
      %convert_element_type3A_141 = arith.extui %lt3A_140 : i1 to i32
      %cond3A_142 = arith.constant 0 : i32
      %cond3A_143 = arith.cmpi ne, %convert_element_type3A_141, %cond3A_142 : i32
      scf.if %cond3A_143 {
        %add3A_144 = arith.constant 2 : i32
        %add3A_145 = arith.addi %scan3A_84, %add3A_144 : i32
        %add3A_146 = arith.constant 2 : i32
        %add3A_147 = arith.addi %scan3A_84, %add3A_146 : i32
        %rem3A_148 = arith.constant 3 : i32
        %rem3A_149 = arith.remsi %add3A_147, %rem3A_148 : i32
        %mul3A_150 = arith.constant 1 : i32
        %mul3A_151 = arith.muli %add3A_145, %mul3A_150 : i32
        %add3A_152 = arith.constant 0 : i32
        %add3A_153 = arith.addi %mul3A_151, %add3A_152 : i32
        %shift_right_logical3A_154 = arith.constant 2 : i32
        %shift_right_logical3A_155 = arith.shrui %add3A_153, %shift_right_logical3A_154 : i32
        %and3A_156 = arith.constant 3 : i32
        %and3A_157 = arith.andi %add3A_153, %and3A_156 : i32
        %mul3A_158 = arith.constant 128 : i32
        %mul3A_159 = arith.muli %and3A_157, %mul3A_158 : i32
        %dma_start3A_160 = arith.constant 0 : i32
        %dma_start3A_161 = arith.constant 0 : i32
        %dma_start3A_162 = arith.constant 0 : i32
        %dma_start3A_163 = tpu.memref_slice %arg6[%rem3A_149, %dma_start3A_160, %dma_start3A_161, %dma_start3A_162] : memref<3x1x128x128xf32, #tpu.memory_space<vmem>> -> memref<1x1x128x128xf32, #tpu.memory_space<vmem>>
        %dma_start3A_164 = tpu.memref_squeeze %dma_start3A_163 : memref<1x1x128x128xf32, #tpu.memory_space<vmem>> -> memref<128x128xf32, #tpu.memory_space<vmem>>
        %dma_start3A_165 = tpu.memref_slice %arg5[%shift_right_logical3A_155, %mul3A_159] : memref<20x512xi32, #tpu.memory_space<vmem>> -> memref<1x128xi32, #tpu.memory_space<vmem>>
        %dma_start3A_166 = tpu.memref_squeeze %dma_start3A_165 : memref<1x128xi32, #tpu.memory_space<vmem>> -> memref<128xi32, #tpu.memory_space<vmem>>
        %dma_start3A_167 = arith.constant 0 : i32
        %dma_start3A_168 = arith.constant 0 : i32
        %dma_start3A_169 = tpu.memref_slice %arg7[%dma_start3A_167, %dma_start3A_168] : memref<367x128xf32, #tpu.memory_space<vmem_shared>> -> memref<367x128xf32, #tpu.memory_space<vmem_shared>>
        tpu.enqueue_indirect_dma source(%dma_start3A_169 : memref<367x128xf32, #tpu.memory_space<vmem_shared>>) target(%dma_start3A_164 : memref<128x128xf32, #tpu.memory_space<vmem>>) offsets(%dma_start3A_166 : memref<128xi32, #tpu.memory_space<vmem>>) semaphore(%arg8 : memref<!tpu.dma_semaphore, #tpu.memory_space<semaphore_mem>>)
      } else {
      }
    }
    %scan3A_58 = arith.constant 80 : i32
    %rem3A = arith.constant 79 : i32
    %rem3A_59 = arith.constant 3 : i32
    %rem3A_60 = arith.remsi %rem3A, %rem3A_59 : i32
    %shift_right_logical3A_61 = arith.constant 79 : i32
    %shift_right_logical3A_62 = arith.constant 2 : i32
    %shift_right_logical3A_63 = arith.shrui %shift_right_logical3A_61, %shift_right_logical3A_62 : i32
    %and3A_64 = arith.constant 79 : i32
    %and3A_65 = arith.constant 3 : i32
    %and3A_66 = arith.andi %and3A_64, %and3A_65 : i32
    %mul3A_67 = arith.constant 128 : i32
    %mul3A_68 = arith.muli %and3A_66, %mul3A_67 : i32
    %add3A_69 = arith.addi %mul3A_2, %mul3A_68 : i32
    %dma_wait3A = arith.constant 0 : i32
    %dma_wait3A_70 = arith.constant 0 : i32
    %dma_wait3A_71 = arith.constant 0 : i32
    %dma_wait3A_72 = tpu.memref_slice %arg6[%rem3A_60, %dma_wait3A, %dma_wait3A_70, %dma_wait3A_71] : memref<3x1x128x128xf32, #tpu.memory_space<vmem>> -> memref<1x1x128x128xf32, #tpu.memory_space<vmem>>
    %dma_wait3A_73 = tpu.memref_squeeze %dma_wait3A_72 : memref<1x1x128x128xf32, #tpu.memory_space<vmem>> -> memref<128x128xf32, #tpu.memory_space<vmem>>
    %dma_wait3A_74 = arith.constant 0 : i32
    %dma_wait3A_75 = tpu.memref_slice %arg4[%shift_right_logical3A_63, %add3A_69, %dma_wait3A_74] : memref<20x16384x128xf32, #tpu.memory_space<hbm>> -> memref<1x128x128xf32, #tpu.memory_space<hbm>>
    %dma_wait3A_76 = tpu.memref_squeeze %dma_wait3A_75 : memref<1x128x128xf32, #tpu.memory_space<hbm>> -> memref<128x128xf32, #tpu.memory_space<hbm>>
    %dma_wait3A_77 = arith.constant 0 : i32
    %dma_wait3A_78 = tpu.memref_slice %arg4[%shift_right_logical3A_63, %add3A_69, %dma_wait3A_77] : memref<20x16384x128xf32, #tpu.memory_space<hbm>> -> memref<1x128x128xf32, #tpu.memory_space<hbm>>
    %dma_wait3A_79 = tpu.memref_squeeze %dma_wait3A_78 : memref<1x128x128xf32, #tpu.memory_space<hbm>> -> memref<128x128xf32, #tpu.memory_space<hbm>>
    %dma_wait3A_80 = arith.constant 0 : i32
    %dma_wait3A_81 = arith.constant 0 : i32
    %dma_wait3A_82 = tpu.memref_slice %arg6[%rem3A_60, %dma_wait3A, %dma_wait3A_80, %dma_wait3A_81] : memref<3x1x128x128xf32, #tpu.memory_space<vmem>> -> memref<1x1x128x128xf32, #tpu.memory_space<vmem>>
    %dma_wait3A_83 = tpu.memref_squeeze %dma_wait3A_82 : memref<1x1x128x128xf32, #tpu.memory_space<vmem>> -> memref<128x128xf32, #tpu.memory_space<vmem>>
    tpu.wait_dma2 semaphore(%arg9 : memref<!tpu.dma_semaphore, #tpu.memory_space<semaphore_mem>>) src(%dma_wait3A_83 : memref<128x128xf32, #tpu.memory_space<vmem>>) dst(%dma_wait3A_79 : memref<128x128xf32, #tpu.memory_space<hbm>>)
    return
  }
}

</mosaic_0001>

<sc_bundles>
// kernel: _sc_gather.3.cloned.1.call-start
scs
__scs_entry_jumppad:
0x0: {  	(pc) =	sbr.rel $0x88, $3  }
0x1: {  	(tag) =	ssettag $0x0;
	lr =	simm.s32 $0x1  }
0x2: {  	[smem:$0x3F9F] =	sst lr;
	_ =	strace $0xD0000000  }
0x3: {  	_ = 	snop  }
0x4: {  	_ = 	snop  }
0x5: {  	_ = 	snop  }
0x6: {  	_ = 	snop  }
0x7: {  	_ = 	snop  }
__scs_overlays_trampoline_lowered:
0x8: {  	[smem:$0x3FAE] =	sst s0  }
0x9: {  	[smem:$0x3FAF] =	sst s1  }
0xa: {  	[smem:$0x3FB0] =	sst s2  }
0xb: {  	[smem:$0x3FB1] =	sst s3  }
0xc: {  	[smem:$0x3FB2] =	sst s4  }
0xd: {  	[smem:$0x3FB3] =	sst s5  }
0xe: {  	[smem:$0x3FB4] =	sst s6  }
0xf: {  	[smem:$0x3FB5] =	sst s7  }
0x10: {  	[smem:$0x3FB6] =	sst s8  }
0x11: {  	[smem:$0x3FB7] =	sst s9;
	s0 =	simm.s32 @!p0 $0x0  }
0x12: {  	s1 =	sld [smem:$0x3F9D];
	s0 =	simm.s32 @p0 $0x1  }
0x13: {  	[smem:$0x3FB8] =	sst s0;
	s0 =	simm.s32 @!p1 $0x0  }
0x14: {  	s2 =	sld [smem:$0x3F9C];
	s0 =	simm.s32 @p1 $0x1  }
0x15: {  	[smem:$0x3FB9] =	sst s0;
	s0 =	simm.s32 @!p2 $0x0  }
0x16: {  	s3 =	sld [smem:$0x3FDB];
	s0 =	simm.s32 @p2 $0x1  }
0x17: {  	s4 =	simm.s32 $0x1BF5;
	[smem:$0x3FBB] =	sst s0  }
0x18: {  	s0 =	sld [smem:$0x3F9E];
	_ =	swait.ge [sflag:s4], $0x0  }
0x19: {  	s7 =	sld [smem:$0x3F9F]  }
0x1a: {  	s8 =	sadd.s32 $0xFFFFE003, lr  }
0x1b: {  	s9 =	sadd.s32 $0xFFFFFEF7, lr;
	s5 =	simm.s32 $0xFFFFFFFF;
	p2 =	slt.u32 s8, $0xFFFFF086  }
0x1c: {  	p1 =	slt.u32 s9, $0xF7A;
	s5 =	simm.s32 @!p2 $0x0  }
0x1d: {  	s5 =	simm.s32 @p1 $0x1;
	p0 =	seq.s32 s7, s2  }
0x1e: {  	s7 =	smul.u32 @!p0 $0xF7A, s2;
	p2 =	seq.s32 @!p0 s5, $0x0  }
0x1f: {  	s9 =	smul.u32 $0xF7A, s1;
	s8 =	simm.s32 @!p0 $0x1BF5;
	p2 =	por !p2, p0  }
0x20: {  	[sflag:s8] =	ssyncset.s32 @!p0 $0xFFFFF086;
	s6 =	sadd.s32 @!p0 s3, s7;
	s7 =	simm.s32 @!p0 $0x108  }
0x21: {  	s3 =	sadd.s32 s3, s9;
	s6 =	sadd.s32 @!p0 $0x88, s6;
	s7 =	simm.s32 @p2 $0x1082  }
0x22: {  	[simem:s7], [sflag:s8] =	dma.local @!p0 [hbm:s6], $0xF7A  }
0x23: {  	s9 =	sor.u32 $0xD0000000, s2;
	s6 =	simm.s32 $0x108;
	_ =	swait.ge @!p0 [sflag:s8], $0x0  }
0x24: {  	s3 =	sadd.s32 $0x88, s3;
	s6 =	simm.s32 @!p1 $0x1082;
	[sflag:s4] =	ssyncset.s32 $0xFFFFF086  }
0x25: {  	[simem:s6], [sflag:s4] =	dma.local [hbm:s3], $0xF7A  }
0x26: {  	[smem:$0x3F9F] =	sst s1;
	(tag) =	ssettag s2;
	_ =	strace s9  }
0x27: {  	s1 =	sld [smem:$0x3FAF]  }
0x28: {  	s2 =	sld [smem:$0x3FB0]  }
0x29: {  	s4 =	sld [smem:$0x3FB2]  }
0x2a: {  	p0 =	seq.s32 s5, $0x0;
	s5 =	sld [smem:$0x3FB3]  }
0x2b: {  	s6 =	sld [smem:$0x3FB4]  }
0x2c: {  	s7 =	sld [smem:$0x3FB5]  }
0x2d: {  	s3 =	simm.s32 $0x108;
	s8 =	sld [smem:$0x3FB6]  }
0x2e: {  	s3 =	simm.s32 @!p0 $0x1082;
	s9 =	sld [smem:$0x3FB7]  }
0x2f: {  	lr =	sadd.s32 s0, s3;
	s0 =	sld [smem:$0x3FAE]  }
0x30: {  	s3 =	sld [smem:$0x3FB1]  }
0x31: {  	[smem:$0x3FBA] =	sst s10  }
0x32: {  	s10 =	sld [smem:$0x3FB8];
	_ =	sdelay $0x3  }
0x33: {  	p0 =	seq.s32 s10, $0x1;
	s10 =	sld [smem:$0x3FBA];
	_ =	sdelay $0x3  }
0x34: {  	[smem:$0x3FBA] =	sst s10  }
0x35: {  	s10 =	sld [smem:$0x3FB9];
	_ =	sdelay $0x3  }
0x36: {  	p1 =	seq.s32 s10, $0x1;
	s10 =	sld [smem:$0x3FBA];
	_ =	sdelay $0x3  }
0x37: {  	[smem:$0x3FBA] =	sst s10  }
0x38: {  	s10 =	sld [smem:$0x3FBB]  }
0x39: {  	_ = 	snop;
	(pc) =	sbr.ind lr, $3  }
0x3a: {  	_ = 	snop  }
0x3b: {  	_ = 	snop  }
0x3c: {  	p2 =	seq.s32 s10, $0x1;
	s10 =	sld [smem:$0x3FBA]  }
0x3d: {  	_ =	shalt  }
0x3e: {  	_ =	shalt  }
0x3f: {  	_ =	shalt  }
0x40: {  	_ =	shalt  }
0x41: {  	_ =	shalt  }
0x42: {  	_ =	shalt  }
0x43: {  	_ =	shalt  }
0x44: {  	_ =	shalt  }
0x45: {  	_ =	shalt  }
0x46: {  	_ =	shalt  }
0x47: {  	_ =	shalt  }
0x48: {  	_ =	shalt  }
0x49: {  	_ =	shalt  }
0x4a: {  	_ =	shalt  }
0x4b: {  	_ =	shalt  }
0x4c: {  	_ =	shalt  }
0x4d: {  	_ =	shalt  }
0x4e: {  	_ =	shalt  }
0x4f: {  	_ =	shalt  }
0x50: {  	_ =	shalt  }
0x51: {  	_ =	shalt  }
0x52: {  	_ =	shalt  }
0x53: {  	_ =	shalt  }
0x54: {  	_ =	shalt  }
0x55: {  	_ =	shalt  }
0x56: {  	_ =	shalt  }
0x57: {  	_ =	shalt  }
0x58: {  	_ =	shalt  }
0x59: {  	_ =	shalt  }
0x5a: {  	_ =	shalt  }
0x5b: {  	_ =	shalt  }
0x5c: {  	_ =	shalt  }
0x5d: {  	_ =	shalt  }
0x5e: {  	_ =	shalt  }
0x5f: {  	_ =	shalt  }
0x60: {  	_ =	shalt  }
0x61: {  	_ =	shalt  }
0x62: {  	_ =	shalt  }
0x63: {  	_ =	shalt  }
0x64: {  	_ =	shalt  }
0x65: {  	_ =	shalt  }
0x66: {  	_ =	shalt  }
0x67: {  	_ =	shalt  }
0x68: {  	_ =	shalt  }
0x69: {  	_ =	shalt  }
0x6a: {  	_ =	shalt  }
0x6b: {  	_ =	shalt  }
0x6c: {  	_ =	shalt  }
0x6d: {  	_ =	shalt  }
0x6e: {  	_ =	shalt  }
0x6f: {  	_ =	shalt  }
0x70: {  	_ =	shalt  }
0x71: {  	_ =	shalt  }
0x72: {  	_ =	shalt  }
0x73: {  	_ =	shalt  }
0x74: {  	_ =	shalt  }
0x75: {  	_ =	shalt  }
0x76: {  	_ =	shalt  }
0x77: {  	_ =	shalt  }
0x78: {  	_ =	shalt  }
0x79: {  	_ =	shalt  }
0x7a: {  	_ =	shalt  }
0x7b: {  	_ =	shalt  }
0x7c: {  	_ =	shalt  }
0x7d: {  	_ =	shalt  }
0x7e: {  	_ =	shalt  }
0x7f: {  	_ =	shalt  }
0x80: {  	_ =	shalt  }
0x81: {  	_ =	shalt  }
0x82: {  	_ =	shalt  }
0x83: {  	_ =	shalt  }
0x84: {  	_ =	shalt  }
0x85: {  	_ =	shalt  }
0x86: {  	_ =	shalt  }
0x87: {  	_ =	shalt  }
.Lfunc_end0:
.L_simem_size_0:
called_computation_lowered:
.L_overlay_start_0:
0x88: {  	s2 =	sld [smem:$0x3FD9]  }
0x89: {  	s3 =	sld [smem:$0x3FFE];
	_ =	sdelay $0x1  }
0x8a: {  	s1 =	srdreg.scid  }
0x8b: {  	s0 =	sand.u32 $0x1, s1  }
0x8c: {  	s18 =	sshll.u32 s0, $0xA;
	s2 =	sadd.s32 s3, s2  }
0x8d: {  	s2 =	sadd.s32 s2, s18  }
0x8e: {  	[smem:$0x3FC6] =	sst s2  }
0x8f: {  	_ = 	snop  }
0x90: {  	s2 =	sld [smem:$0x3FC9]  }
0x91: {  	s19 =	sld [smem:$0x3FC8]  }
0x92: {  	s4 =	sld [smem:$0x3FD0];
	(tm) =	ssettm $0x1  }
0x93: {  	s5 =	sld [smem:$0x3FFB];
	_ =	sdelay $0x3  }
0x94: {  	_ =	strace s5  }
0x95: {  	s5 =	sld [smem:$0x3FFC];
	_ =	sdelay $0x3  }
0x96: {  	_ =	strace s5  }
0x97: {  	s5 =	sld [smem:$0x3FFD];
	_ =	sdelay $0x3  }
0x98: {  	_ =	strace s5  }
0x99: {  	_ =	strace $0x8FFFFFFF  }
0x9a: {  	s20 =	sld [smem:$0x3FDB];
	_ =	sdelay $0x1  }
0x9b: {  	s6 =	simm.s32 $_scs_section_size  }
0x9c: {  	s7 =	simm.s32 $_size__tile_overlayer_lowered;
	s8 =	simm.s32 $_tile_overlayer_lowered  }
0x9d: {  	s23 =	simm.s32 $0x1BFF;
	s22 =	sshll.u32 s8, $0x1;
	s5 =	sadd.s32 s6, s20  }
0x9e: {  	s9 =	simm.s32 $0x0;
	s21 =	sshll.u32 s7, $0x1;
	s7 =	sadd.s32 s22, s5  }
0x9f: {  	[timem:s9], [sflag:s23] =	dma.local [hbm:s7], s21  }
0xa0: {  	_ =	swait.ge [sflag:s23], s21  }
0xa1: {  	s6 =	ssub.s32 $0x0, s21;
	[sflag:s23] =	ssyncset.done $0x0  }
0xa2: {  	[sflag:s23] =	ssyncadd.s32 s6;
	_ =	sdelay $0x1  }
0xa3: {  	s24 =	simm.s32 $0x1B8B  }
0xa4: {  	_ =	swait.ge [sflag:s24], $0x1  }
0xa5: {  	[sflag:s24] =	ssyncset.done $0x0  }
0xa6: {  	s25 =	simm.s32 $0x1B8E;
	[sflag:s24] =	ssyncadd.s32 $0xFFFFFFFF  }
0xa7: {  	s26 =	simm.s32 $execute0_lowered;
	[smem:$0x3FD2] =	sst s25  }
0xa8: {  	s6 =	sshll.u32 s26, $0x1;
	_ =	strace $0x80000046;
	[dreg:$0x1] =	wrdreg $0xFFFFFFFF  }
0xa9: {  	s28 =	simm.s32 $_size_execute0_lowered;
	s5 =	sadd.s32 s5, s6;
	[dreg:$0x0] =	wrdreg $0x0  }
0xaa: {  	s6 =	sshll.u32 s28, $0x1;
	[dreg:$0x2] =	wrdreg s5  }
0xab: {  	[dreg:$0x3] =	wrdreg s6  }
0xac: {  	[dreg:$0x4] =	wrdreg $0xC0  }
0xad: {  	_ =	task [dreg:s9], $0x5FFFF  }
0xae: {  	[dreg:$0x1] =	wrdreg $0xFFFFFFFF  }
0xaf: {  	[dreg:$0x0] =	wrdreg $0x60  }
0xb0: {  	[dreg:$0x2] =	wrdreg s2  }
0xb1: {  	[dreg:$0x3] =	wrdreg s19  }
0xb2: {  	[dreg:$0x4] =	wrdreg s4  }
0xb3: {  	[dreg:$0x5] =	wrdreg $0xF0000  }
0xb4: {  	[dreg:$0x6] =	wrdreg $0x9  }
0xb5: {  	_ =	task.clear_ibuf [dreg:s9], $0x7FFFF;
	_ =	strace $0x90000046  }
0xb6: {  	s29 =	simm.s32 $0x9;
	_ =	strace $0x80000048  }
0xb7: {  	_ =	swait.ge [sflag:s29], $0x1  }
0xb8: {  	[sflag:s29] =	ssyncadd.s32 $0xFFFFFFFF  }
0xb9: {  	_ =	strace $0x90000048  }
0xba: {  	_ =	sfence  }
0xbb: {  	s30 =	sld [smem:$0x0];
	_ =	sdelay $0x2  }
0xbc: {  	s31 =	sshll.u32 s1, $0xD;
	s1 =	sshrl.u32 s1, $0x2  }
0xbd: {  	s3 =	sand.u32 $0x4000, s31;
	s1 =	sadd.s32 s1, s30  }
0xbe: {  	s0 =	sor.u32 s3, s0;
	s1 =	sshll.u32 s1, $0x11  }
0xbf: {  	s0 =	sor.u32 s1, s0  }
0xc0: {  	s0 =	sadd.s32 $0x8F2B, s0  }
0xc1: {  	[sflag:s0] =	ssyncadd.remote.s32 $0x1  }
0xc2: {  	_ =	sfence.sel $0xFFFF  }
0xc3: {  	[dreg:$0x0] =	wrdreg $0xFFFFFFFF;
	(pc) =	sbr.abs _section_cstart, $3  }
0xc4: {  	[dreg:$0x1] =	wrdreg $0xFFFFFFFF  }
0xc5: {  	_ =	task.clear_ibuf [dreg:s9], $0x2FFFF;
	_ =	strace $0x9FFFFFFF  }
0xc6: {  	(tm) =	ssettm $0x7FFFFFFF  }
0xc7: {  	_ =	shalt  }
tec
execute0_lowered:
.L_overlay_start_1:
0x0: {  	(tag) =	ssettag $0x1  }
0x1: {  	s8 =	rddreg [dreg:$0x0]  }
0x2: {  	s7 =	rddreg [dreg:$0x1]  }
0x3: {  	s1 =	rddreg [dreg:$0x2]  }
0x4: {  	s2 =	rddreg [dreg:$0x3]  }
0x5: {  	s3 =	srdreg.scid;
	s4 =	simm.s32 $0x0;
	s14 =	simm.s32 $0x20000  }
0x6: {  	s15 =	simm.s32 $0x4;
	s16 =	simm.s32 $0x80;
	s17 =	simm.s32 $0x3000  }
0x7: {  	s18 =	simm.s32 $0x400;
	s19 =	simm.s32 $0x7000;
	s20 =	simm.s32 $0x1  }
0x8: {  	s21 =	simm.s32 $0x2;
	s22 =	simm.s32 $0x0;
	s5 =	sand.u32 $0x1, s3  }
0x9: {  	[smem:$0x7FF] =	sst s4;
	s3 =	stileid.u32;
	s6 =	ssub.s32 $0x2, s5  }
0xa: {  	_ =	strace $0x80000047;
	s10 =	smul.u32 $0x3000, s3;
	s11 =	sshll.u32 s3, $0xA  }
0xb: {  	s5 =	sshll.u32 s5, $0x9;
	s12 =	smul.u32 $0x180, s3;
	p0 =	seq.s32 s3, $0xF  }
0xc: {  	s9 =	sshrl.u32 s6, $0x1;
	s5 =	sor.u32 s5, s11;
	s11 =	sshll.u32 @!p0 s3, $0x6  }
0xd: {  	s9 =	ssub.s32 s6, s9;
	s31 =	sshrl.u32 s10, $0x2;
	s6 =	sadd.s32 s7, s12  }
0xe: {  	s10 =	sadd.s32 $0xB400, s2;
	s7 =	sadd.s32 $0x1680, s7;
	s8 =	sadd.s32 s8, s5  }
0xf: {  	s11 =	sor.u32 @!p0 $0x1C03, s11;
	s13 =	sadd.s32 s31, s2;
	s9 =	smax.u32 s9, $0x1  }
0x10: {  	s10 =	sshrl.u32 @p0 s10, $0x3;
	s12 =	sshrl.u32 @!p0 s13, $0x3;
	s13 =	simm.s32 $0x1000  }
.LBB2_1:
0x11: {  	s23 =	simm.s32 @p0 $0x1FC3  }
0x12: {  	[spmem:s10], [sflag:s23] =	dma.local @p0 [hbm:s7], $0x70  }
0x13: {  	[spmem:s12], [sflag:s11] =	dma.local @!p0 [hbm:s6], $0x180  }
0x14: {  	[tilespmem:s4], [sflag:$0x4] =	stream.strided.gather [hbm4b:s8+s13], $0x3000, s14, s13, $0x38;
	[tilespmem:$0xFB78] =	vst v63  }
0x15: {  	_ =	swait.ge [sflag:s15], $0x3000  }
0x16: {  	[sflag:s15] =	ssyncset.done $0x0  }
0x17: {  	s23 =	simm.s32 @p0 $0x3;
	[sflag:s15] =	ssyncadd.s32 $0xFFFFD000  }
0x18: {  	_ =	swait.ge @p0 [sflag:s23], $0x70  }
0x19: {  	[sflag:s23] =	ssyncset.done @p0 $0x0  }
0x1a: {  	[sflag:s23] =	ssyncadd.s32 @p0 $0xFFFFFF90;
	s23 =	simm.s32 @!p0 $0x3  }
0x1b: {  	_ =	swait.ge @!p0 [sflag:s23], $0x180  }
0x1c: {  	[sflag:s23] =	ssyncset.done @!p0 $0x0  }
0x1d: {  	[sflag:s23] =	ssyncadd.s32 @!p0 $0xFFFFFE80  }
0x1e: {  	s24 =	simm.s32 $0x800;
	s25 =	simm.s32 $0x40;
	[bflag:$0x0] =	sbarrier.arrive $0xFFFF  }
0x1f: {  	[tilespmem:s17], [sflag:$0x1] =	stream.indirect.gather [spmem:s2], $0x80, s4, s16, $0xb8;
	[tilespmem:$0xFB78] =	vst v63  }
0x20: {  	s26 =	simm.s32 $0x0;
	s28 =	simm.s32 $0x0;
	s23 =	simm.s32 $0x100  }
0x21: {  	[tilespmem:s19], [sflag:$0x1] =	stream.indirect.gather [spmem:s2], $0x80, s18, s16, $0xb8;
	[tilespmem:$0xFB78] =	vst v63  }
.LBB2_2:
0x22: {  	s29 =	smul.u32 $0xAB, s28;
	_ =	sdelay $0x1  }
0x23: {  	s29 =	sshrl.u32 s29, $0x9  }
0x24: {  	s29 =	sand.u32 $0x7F, s29  }
0x25: {  	s29 =	smul.u32 $0x3, s29  }
0x26: {  	_ =	swait.ge [sflag:s20], $0x4000;
	s30 =	sadd.s32 $0xFFFFFF00, s23;
	s31 =	sand.u32 $0x7C0000, s26  }
0x27: {  	p1 =	seq.s32 s28, $0x0;
	s30 =	sand.u32 $0x180, s30;
	s29 =	ssub.s32 s28, s29  }
0x28: {  	[sflag:s20] =	ssyncset.done $0x0;
	s30 =	sor.u32 s5, s30;
	s29 =	sand.u32 $0xFF, s29  }
0x29: {  	s31 =	sadd.s32 s1, s31;
	s30 =	sshll.u32 s30, $0x4;
	s29 =	sshll.u32 s29, $0xE  }
0x2a: {  	[sflag:s20] =	ssyncadd.s32 $0xFFFFC000;
	s30 =	sadd.s32 s30, s31;
	s29 =	sor.u32 $0x3000, s29  }
0x2b: {  	[hbm4b:s30+s4] =	stream.linear.scatter [tilespmem:s29], [sflag:$0x2], $0x4000, $0x38;
	[tilespmem:$0xFB78] =	vst v63  }
0x2c: {  	s29 =	simm.s32 @!p1 $0x2  }
0x2d: {  	p2 =	sgt.u32 @!p1 s28, $0x4D;
	_ =	swait.ge @!p1 [sflag:s29], $0x4000  }
0x2e: {  	p2 =	por p1, !p2;
	[sflag:s29] =	ssyncset.done @!p1 $0x0  }
0x2f: {  	[sflag:s29] =	ssyncadd.s32 @!p1 $0xFFFFC000;
	s29 =	sadd.s32 @p2 $0x2, s28  }
0x30: {  	s30 =	smul.u32 @p2 $0xAB, s29;
	_ =	sdelay $0x1  }
0x31: {  	s30 =	sshrl.u32 @p2 s30, $0x9  }
0x32: {  	s30 =	sand.u32 @p2 $0x7F, s30  }
0x33: {  	s28 =	sadd.s32 $0x1, s28;
	s30 =	smul.u32 @p2 $0x3, s30  }
0x34: {  	s26 =	sadd.s32 $0x10000, s26;
	s0 =	sand.u32 @p2 $0x380, s25;
	p1 =	sne.s32 s28, $0x50  }
.Ltmp0:
0x35: {  	s25 =	sadd.s32 $0x20, s25;
	s29 =	ssub.s32 @p2 s29, s30;
	(pc) =	sbr.rel @p1 .LBB2_2-.Ltmp0, $4  }
0x36: {  	s31 =	sand.u32 @p2 $0xC00, s24;
	s30 =	sand.u32 @p2 $0x7000, s23;
	s29 =	sand.u32 @p2 $0xFF, s29  }
0x37: {  	s24 =	sadd.s32 $0x400, s24;
	s30 =	sor.u32 @p2 s31, s30;
	s29 =	sshll.u32 @p2 s29, $0xE  }
0x38: {  	s23 =	sadd.s32 $0x80, s23;
	s0 =	sor.u32 @p2 s0, s30;
	s29 =	sor.u32 @p2 $0x3000, s29  }
0x39: {  	[tilespmem:s29], [sflag:$0x1] =	stream.indirect.gather @p2 [spmem:s2], $0x80, s0, s16, $0xb8;
	[tilespmem:$0xFB78] =	vst v63  }
0x3a: {  	s22 =	sadd.s32 $0x1, s22  }
0x3b: {  	p1 =	sne.s32 s22, s9  }
.Ltmp1:
0x3c: {  	_ = 	snop;
	(pc) =	sbr.rel @p1 .LBB2_1-.Ltmp1, $4  }
0x3d: {  	_ = 	snop  }
0x3e: {  	_ =	swait.ge [sflag:s21], $0x4000  }
0x3f: {  	[sflag:s21] =	ssyncset.done $0x0  }
0x40: {  	[sflag:s21] =	ssyncadd.s32 $0xFFFFC000  }
0x41: {  	_ =	sfence.sel $0x180000  }
0x42: {  	[bflag:$0x0] =	sbarrier.arrive $0xFFFF  }
0x43: {  	_ =	strace $0x90000047  }
0x44: {  	[bflag:$0x2] =	sbarrier.arrive $0xFFFF  }
0x45: {  	p0 =	sne.s32 s3, $0x0;
	s0 =	rddreg [dreg:$0x4]  }
0x46: {  	s0 =	sadd.s32 @!p0 $0x100000, s0  }
0x47: {  	[sflag:s0] =	ssyncadd.tile.s32 @!p0 $0x1;
	_ =	shalt  }
.Lfunc_end2:
_tile_overlayer_lowered:
.L_overlay_start_2:
0x48: {  	(tag) =	ssettag $0x2  }
0x49: {  	s0 =	rddreg [dreg:$0x0];
	s2 =	stileid.u32  }
0x4a: {  	s1 =	rddreg [dreg:$0x1];
	p0 =	sne.s32 s2, $0x0  }
0x4b: {  	s3 =	rddreg [dreg:$0x2];
	[bflag:$0x3] =	sbarrier.arrive $0xFFFF;
	s2 =	simm.s32 @!p0 $0x1C04  }
0x4c: {  	[timem:s3], [sflag:s2] =	dma.local @!p0 [hbm:s0], s1  }
0x4d: {  	s0 =	simm.s32 @!p0 $0x4  }
0x4e: {  	_ =	swait.ge @!p0 [sflag:s0], s1  }
0x4f: {  	s1 =	ssub.s32 @!p0 $0x0, s1;
	[sflag:s0] =	ssyncset.done @!p0 $0x0  }
0x50: {  	[sflag:s0] =	ssyncadd.s32 @!p0 s1  }
0x51: {  	[bflag:$0x3] =	sbarrier.arrive $0xFFFF  }
0x52: {  	_ =	shalt  }

</sc_bundles>
